<compile_context>
chip_gen: v7x
topology: tpu7x:2x2x1
jax: 0.10.2.dev20260603
libtpu: 0.0.44.dev20260713+nightly
codegen_flags: <defaults>
</compile_context>

<pallas_src>
import functools

import jax
import jax.numpy as jnp
from jax import lax
from jax.experimental import pallas as pl
from jax.experimental.pallas import tpu as pltpu
from jax.experimental.pallas import tpu_sc as plsc

CONTEXT_INFLUENCE = 0.5
GRAPH_BIAS_SCALE = 0.8
COMMITMENT_COST = 0.25


def _prep_body(a_ref, cb_ref, o_ref, cn_ref):
    o_ref[:] = (GRAPH_BIAS_SCALE * CONTEXT_INFLUENCE) * jax.nn.sigmoid(a_ref[:])
    cb = cb_ref[:]
    cn_ref[0, :] = jnp.sum(cb * cb, axis=1)


def _prep_tables(adjacency, codebook):
    K = adjacency.shape[0]
    return pl.pallas_call(
        _prep_body,
        out_shape=[
            jax.ShapeDtypeStruct((K, K), jnp.float32),
            jax.ShapeDtypeStruct((1, K), jnp.float32),
        ],
    )(adjacency, codebook)


@functools.lru_cache(maxsize=None)
def _make_sc_gather(V, D, Btok, CH):
    info = plsc.get_sparse_core_info()
    NW = info.num_cores * info.num_subcores
    b_per_w = Btok // NW
    n_ch = b_per_w // CH
    mesh = plsc.VectorSubcoreMesh(core_axis_name="c", subcore_axis_name="s")

    @functools.partial(
        pl.kernel,
        mesh=mesh,
        out_type=jax.ShapeDtypeStruct((Btok, D), jnp.float32),
        scratch_types=[
            pltpu.VMEM((b_per_w,), jnp.int32),
            pltpu.VMEM((CH, D), jnp.float32),
            pltpu.VMEM((CH, D), jnp.float32),
            pltpu.SemaphoreType.DMA,
            pltpu.SemaphoreType.DMA,
            pltpu.SemaphoreType.DMA,
            pltpu.SemaphoreType.DMA,
        ],
    )
    def sc_gather(table_hbm, idx_hbm, out_hbm, idx_v, buf0, buf1,
                  gs0, gs1, ws0, ws1):
        wid = lax.axis_index("s") * info.num_cores + lax.axis_index("c")
        base = wid * b_per_w
        pltpu.sync_copy(idx_hbm.at[pl.ds(base, b_per_w)], idx_v)
        bufs, gsems, wsems = (buf0, buf1), (gs0, gs1), (ws0, ws1)

        def g_copy(i, b):
            return pltpu.make_async_copy(
                table_hbm.at[idx_v.at[pl.ds(i * CH, CH)]], bufs[b], gsems[b])

        def w_copy(i, b):
            return pltpu.make_async_copy(
                bufs[b], out_hbm.at[pl.ds(base + i * CH, CH)], wsems[b])

        g_copy(0, 0).start()

        def body(g, _):
            for b in range(2):
                i = g * 2 + b
                g_copy(i, b).wait()
                w_copy(i, b).start()
                ob = 1 - b

                @pl.when(i + 1 < n_ch)
                def _():
                    @pl.when(i >= 1)
                    def _():
                        w_copy(i - 1, ob).wait()

                    g_copy(i + 1, ob).start()

            return 0

        lax.fori_loop(0, n_ch // 2, body, 0)
        w_copy(n_ch - 2, 0).wait()
        w_copy(n_ch - 1, 1).wait()

    return sc_gather


def _vq_body(zr_ref, zi_ref, hr_ref, hi_ref, prior_ref, cb_ref, gw_ref,
             gb_ref, cn_ref, idx_ref, zq_ref, loss_ref):
    K = cb_ref.shape[0]
    z = jnp.concatenate([zr_ref[:], zi_ref[:]], axis=1)
    ctx = jnp.concatenate([hr_ref[:], hi_ref[:]], axis=1)
    cb = cb_ref[:]
    t = lax.dot_general(z, cb, (((1,), (1,)), ((), ())))
    ctxb = jnp.dot(ctx, gw_ref[:]) + gb_ref[0, :][None, :]
    d = cn_ref[0, :][None, :] - 2.0 * t - prior_ref[:] * (2.0 + jnp.tanh(ctxb))
    m = jnp.min(d, axis=1, keepdims=True)
    colv = lax.broadcasted_iota(jnp.int32, d.shape, 1)
    idx = jnp.min(jnp.where(d == m, colv, K), axis=1)
    idx_ref[0, 0, :] = idx
    oh = (colv == idx[:, None]).astype(jnp.float32)
    zq = lax.dot_general(oh, cb, (((1,), (0,)), ((), ())))
    zq_ref[:] = zq
    diff = zq - z
    part = jnp.sum(diff * diff).reshape(1, 1)

    @pl.when(pl.program_id(0) == 0)
    def _init():
        loss_ref[:, :] = jnp.zeros_like(part)

    loss_ref[:, :] += part


def kernel(z_real, z_imag, h_real, h_imag, prev_symbol_idx, codebook,
           adjacency, gate_W, gate_b):
    B, L = z_real.shape
    K, D = codebook.shape
    BB = 1024
    NB = B // BB

    sigA, cnorm2 = _prep_tables(adjacency, codebook)
    prior = _make_sc_gather(K, K, B, 32)(sigA, prev_symbol_idx.astype(jnp.int32))

    gb2 = gate_b.reshape(1, K)
    idx2, zq, loss_acc = pl.pallas_call(
        _vq_body,
        grid=(NB,),
        in_specs=[
            pl.BlockSpec((BB, L), lambda i: (i, 0)),
            pl.BlockSpec((BB, L), lambda i: (i, 0)),
            pl.BlockSpec((BB, L), lambda i: (i, 0)),
            pl.BlockSpec((BB, L), lambda i: (i, 0)),
            pl.BlockSpec((BB, K), lambda i: (i, 0)),
            pl.BlockSpec((K, D), lambda i: (0, 0)),
            pl.BlockSpec((D, K), lambda i: (0, 0)),
            pl.BlockSpec((1, K), lambda i: (0, 0)),
            pl.BlockSpec((1, K), lambda i: (0, 0)),
        ],
        out_specs=[
            pl.BlockSpec((1, 1, BB), lambda i: (i, 0, 0)),
            pl.BlockSpec((BB, D), lambda i: (i, 0)),
            pl.BlockSpec((1, 1), lambda i: (0, 0)),
        ],
        out_shape=[
            jax.ShapeDtypeStruct((NB, 1, BB), jnp.int32),
            jax.ShapeDtypeStruct((B, D), jnp.float32),
            jax.ShapeDtypeStruct((1, 1), jnp.float32),
        ],
    )(z_real, z_imag, h_real, h_imag, prior, codebook, gate_W, gb2, cnorm2)

    min_indices = idx2.reshape(B)
    loss = (1.0 + COMMITMENT_COST) / (B * D) * loss_acc[0, 0]
    z_complex = lax.complex(zq[:, :L], zq[:, L:])
    return z_complex, loss, min_indices

# --- scband reference (transcript-rebuilt; emitter-appended) ---
"""Pipeline reference for scband-graph-memory-vq-dynamic-24902220382710 (READ-ONLY COPY).

The authoritative reference and input builder live on the scoring server;
editing this copy changes nothing except your own understanding.
"""

import jax, jax.numpy as jnp
import numpy as np

B = 32768
LATENT = 128
K = 1024
CONTEXT_INFLUENCE = 0.5
GRAPH_BIAS_SCALE = 0.8
COMMITMENT_COST = 0.25


def setup_inputs(seed: int = 0) -> dict:
    key = jax.random.key(seed)
    ks = jax.random.split(key, 8)
    z_real = jax.random.normal(ks[0], (B, LATENT), dtype=jnp.float32)
    z_imag = jax.random.normal(ks[1], (B, LATENT), dtype=jnp.float32)
    h_real = jax.random.normal(ks[2], (B, LATENT), dtype=jnp.float32)
    h_imag = jax.random.normal(ks[3], (B, LATENT), dtype=jnp.float32)
    prev_symbol_idx = jax.random.randint(ks[4], (B,), 0, K)
    codebook = jax.random.normal(ks[5], (K, 2 * LATENT), dtype=jnp.float32)
    adjacency = jax.random.normal(ks[6], (K, K), dtype=jnp.float32) * 0.02
    gate_W = jax.random.normal(ks[7], (2 * LATENT, K), dtype=jnp.float32) * (1.0 / np.sqrt(2 * LATENT))
    gate_b = jnp.zeros((K,), dtype=jnp.float32)
    return {
        'z_real': z_real, 'z_imag': z_imag,
        'h_real': h_real, 'h_imag': h_imag,
        'prev_symbol_idx': prev_symbol_idx,
        'codebook': codebook, 'adjacency': adjacency,
        'gate_W': gate_W, 'gate_b': gate_b,
    }


def reference(z_real, z_imag, h_real, h_imag, prev_symbol_idx, codebook, adjacency, gate_W, gate_b):
    # z_flat = cat([z.real, z.imag], -1)
    z_flat = jnp.concatenate([z_real, z_imag], axis=-1)
    # squared-distance to every codebook entry (compute-heavy matmul)
    d = (jnp.sum(z_flat ** 2, axis=1, keepdims=True)
         + jnp.sum(codebook ** 2, axis=1)
         - 2.0 * jnp.matmul(z_flat, codebook.T))
    # graph prior gathered by previous symbol index
    static_prior = jnp.take(adjacency, prev_symbol_idx, axis=0)
    ctx_flat = jnp.concatenate([h_real, h_imag], axis=-1)
    context_bias = jnp.matmul(ctx_flat, gate_W) + gate_b
    combined_prior = jax.nn.sigmoid(static_prior) * (1.0 + CONTEXT_INFLUENCE * jnp.tanh(context_bias))
    d = d - GRAPH_BIAS_SCALE * combined_prior
    min_indices = jnp.argmin(d, axis=1)
    z_q = jnp.take(codebook, min_indices, axis=0)
    # eval-mode forward: EMA codebook buffer updates skipped (training-only, stateful)
    loss_vq = jnp.mean((z_q - jax.lax.stop_gradient(z_flat)) ** 2)
    loss_commit = jnp.mean((jax.lax.stop_gradient(z_q) - z_flat) ** 2)
    loss = loss_vq + COMMITMENT_COST * loss_commit
    # straight-through estimator
    z_q_st = z_flat + jax.lax.stop_gradient(z_q - z_flat)
    z_complex = jax.lax.complex(z_q_st[..., :LATENT], z_q_st[..., LATENT:])
    return z_complex, loss, min_indices

if __name__ == "__main__":
    import jax
    _d = setup_inputs()
    print(jax.jit(kernel)(*tuple(_d.values())))

</pallas_src>

<mosaic_0001>
#map = affine_map<(d0, d1) -> (0, 0)>
#map1 = affine_map<(d0, d1) -> (0)>
module attributes {stable_mosaic.version = 14 : i64} {
  func.func @sc_gather(%arg0: i32, %arg1: i32, %arg2: memref<1024x1024xf32, #tpu.memory_space<hbm>>, %arg3: memref<32768xi32, #tpu.memory_space<hbm>>, %arg4: memref<32768x1024xf32, #tpu.memory_space<hbm>>, %arg5: memref<1024xi32, #tpu.memory_space<vmem>>, %arg6: memref<32x1024xf32, #tpu.memory_space<vmem>>, %arg7: memref<32x1024xf32, #tpu.memory_space<vmem>>, %arg8: memref<!tpu.dma_semaphore, #tpu.memory_space<semaphore_mem>>, %arg9: memref<!tpu.dma_semaphore, #tpu.memory_space<semaphore_mem>>, %arg10: memref<!tpu.dma_semaphore, #tpu.memory_space<semaphore_mem>>, %arg11: memref<!tpu.dma_semaphore, #tpu.memory_space<semaphore_mem>>) attributes {dimension_semantics = [#tpu.dimension_semantics<core_parallel>, #tpu.dimension_semantics<subcore_parallel>], iteration_bounds = array<i64: 2, 16>, scalar_prefetch = 0 : i64, scratch_operands = 7 : i64, tpu.core_type = #tpu.core_type<sc_vector_subcore>, window_params = [{transform_indices = #map}, {transform_indices = #map1}, {transform_indices = #map}]} {
    %mul3A = arith.constant 2 : i32
    %mul3A_0 = arith.muli %arg1, %mul3A : i32
    %add3A = arith.addi %mul3A_0, %arg0 : i32
    %mul3A_1 = arith.constant 1024 : i32
    %mul3A_2 = arith.muli %add3A, %mul3A_1 : i32
    "tpu.region"() ({
      %run_scoped3A = tpu.sem_alloc : memref<!tpu.dma_semaphore, #tpu.memory_space<semaphore_mem>>
      %dma_start3A_24 = tpu.memref_slice %arg3[%mul3A_2] : memref<32768xi32, #tpu.memory_space<hbm>> -> memref<1024xi32, #tpu.memory_space<hbm>>
      %dma_start3A_25 = tpu.memref_slice %arg3[%mul3A_2] : memref<32768xi32, #tpu.memory_space<hbm>> -> memref<1024xi32, #tpu.memory_space<hbm>>
      tpu.enqueue_dma source(%dma_start3A_25 : memref<1024xi32, #tpu.memory_space<hbm>>) target(%arg5 : memref<1024xi32, #tpu.memory_space<vmem>>) target_semaphore(%run_scoped3A : memref<!tpu.dma_semaphore, #tpu.memory_space<semaphore_mem>>)
      %dma_wait3A_26 = tpu.memref_slice %arg3[%mul3A_2] : memref<32768xi32, #tpu.memory_space<hbm>> -> memref<1024xi32, #tpu.memory_space<hbm>>
      %dma_wait3A_27 = tpu.memref_slice %arg3[%mul3A_2] : memref<32768xi32, #tpu.memory_space<hbm>> -> memref<1024xi32, #tpu.memory_space<hbm>>
      tpu.wait_dma2 semaphore(%run_scoped3A : memref<!tpu.dma_semaphore, #tpu.memory_space<semaphore_mem>>) src(%dma_wait3A_27 : memref<1024xi32, #tpu.memory_space<hbm>>) dst(%arg5 : memref<1024xi32, #tpu.memory_space<vmem>>)
      tpu.yield
    }) : () -> ()
    %dma_start3A = arith.constant 0 : i32
    %dma_start3A_3 = tpu.memref_slice %arg5[%dma_start3A] : memref<1024xi32, #tpu.memory_space<vmem>> -> memref<32xi32, #tpu.memory_space<vmem>>
    %dma_start3A_4 = arith.constant 0 : i32
    %dma_start3A_5 = arith.constant 0 : i32
    %dma_start3A_6 = tpu.memref_slice %arg2[%dma_start3A_4, %dma_start3A_5] : memref<1024x1024xf32, #tpu.memory_space<hbm>> -> memref<1024x1024xf32, #tpu.memory_space<hbm>>
    tpu.enqueue_indirect_dma source(%dma_start3A_6 : memref<1024x1024xf32, #tpu.memory_space<hbm>>) target(%arg6 : memref<32x1024xf32, #tpu.memory_space<vmem>>) offsets(%dma_start3A_3 : memref<32xi32, #tpu.memory_space<vmem>>) semaphore(%arg8 : memref<!tpu.dma_semaphore, #tpu.memory_space<semaphore_mem>>)
    %scan3A = arith.constant 0 : i32
    %scan3A_7 = arith.constant 0 : i32
    %scan3A_8 = arith.constant 16 : i32
    %scan3A_9 = arith.addi %scan3A_7, %scan3A_8 : i32
    %scan3A_10 = arith.constant 1 : i32
    %scan3A_11 = scf.for %scan3A_24 = %scan3A_7 to %scan3A_9 step %scan3A_10 iter_args(%scan3A_25 = %scan3A) -> (i32)  : i32 {
      %mul3A_26 = arith.constant 2 : i32
      %mul3A_27 = arith.muli %scan3A_24, %mul3A_26 : i32
      %add3A_28 = arith.constant 0 : i32
      %add3A_29 = arith.addi %mul3A_27, %add3A_28 : i32
      %mul3A_30 = arith.constant 32 : i32
      %mul3A_31 = arith.muli %add3A_29, %mul3A_30 : i32
      %dma_wait3A_32 = tpu.memref_slice %arg5[%mul3A_31] : memref<1024xi32, #tpu.memory_space<vmem>> -> memref<32xi32, #tpu.memory_space<vmem>>
      %dma_wait3A_33 = arith.constant 0 : i32
      %dma_wait3A_34 = arith.constant 0 : i32
      %dma_wait3A_35 = tpu.memref_slice %arg2[%dma_wait3A_33, %dma_wait3A_34] : memref<1024x1024xf32, #tpu.memory_space<hbm>> -> memref<1024x1024xf32, #tpu.memory_space<hbm>>
      tpu.wait_indirect_dma semaphore(%arg8 : memref<!tpu.dma_semaphore, #tpu.memory_space<semaphore_mem>>) src(%dma_wait3A_35 : memref<1024x1024xf32, #tpu.memory_space<hbm>>) dst(%arg6 : memref<32x1024xf32, #tpu.memory_space<vmem>>)
      %mul3A_36 = arith.constant 32 : i32
      %mul3A_37 = arith.muli %add3A_29, %mul3A_36 : i32
      %add3A_38 = arith.addi %mul3A_2, %mul3A_37 : i32
      %dma_start3A_39 = arith.constant 0 : i32
      %dma_start3A_40 = tpu.memref_slice %arg4[%add3A_38, %dma_start3A_39] : memref<32768x1024xf32, #tpu.memory_space<hbm>> -> memref<32x1024xf32, #tpu.memory_space<hbm>>
      %dma_start3A_41 = arith.constant 0 : i32
      %dma_start3A_42 = tpu.memref_slice %arg4[%add3A_38, %dma_start3A_41] : memref<32768x1024xf32, #tpu.memory_space<hbm>> -> memref<32x1024xf32, #tpu.memory_space<hbm>>
      tpu.enqueue_dma source(%arg6 : memref<32x1024xf32, #tpu.memory_space<vmem>>) target(%dma_start3A_42 : memref<32x1024xf32, #tpu.memory_space<hbm>>) target_semaphore(%arg10 : memref<!tpu.dma_semaphore, #tpu.memory_space<semaphore_mem>>)
      %add3A_43 = arith.constant 1 : i32
      %add3A_44 = arith.addi %add3A_29, %add3A_43 : i32
      %lt3A = arith.constant 32 : i32
      %lt3A_45 = arith.cmpi slt, %add3A_44, %lt3A : i32
      %convert_element_type3A = arith.extui %lt3A_45 : i1 to i32
      %cond3A = arith.constant 0 : i32
      %cond3A_46 = arith.cmpi ne, %convert_element_type3A, %cond3A : i32
      scf.if %cond3A_46 {
        %ge3A = arith.constant 1 : i32
        %ge3A_72 = arith.cmpi sge, %add3A_29, %ge3A : i32
        %convert_element_type3A_73 = arith.extui %ge3A_72 : i1 to i32
        %cond3A_74 = arith.constant 0 : i32
        %cond3A_75 = arith.cmpi ne, %convert_element_type3A_73, %cond3A_74 : i32
        scf.if %cond3A_75 {
          %sub3A = arith.constant 1 : i32
          %sub3A_84 = arith.subi %add3A_29, %sub3A : i32
          %mul3A_85 = arith.constant 32 : i32
          %mul3A_86 = arith.muli %sub3A_84, %mul3A_85 : i32
          %add3A_87 = arith.addi %mul3A_2, %mul3A_86 : i32
          %dma_wait3A_88 = arith.constant 0 : i32
          %dma_wait3A_89 = tpu.memref_slice %arg4[%add3A_87, %dma_wait3A_88] : memref<32768x1024xf32, #tpu.memory_space<hbm>> -> memref<32x1024xf32, #tpu.memory_space<hbm>>
          %dma_wait3A_90 = arith.constant 0 : i32
          %dma_wait3A_91 = tpu.memref_slice %arg4[%add3A_87, %dma_wait3A_90] : memref<32768x1024xf32, #tpu.memory_space<hbm>> -> memref<32x1024xf32, #tpu.memory_space<hbm>>
          tpu.wait_dma2 semaphore(%arg11 : memref<!tpu.dma_semaphore, #tpu.memory_space<semaphore_mem>>) src(%arg7 : memref<32x1024xf32, #tpu.memory_space<vmem>>) dst(%dma_wait3A_91 : memref<32x1024xf32, #tpu.memory_space<hbm>>)
        } else {
        }
        %add3A_76 = arith.constant 1 : i32
        %add3A_77 = arith.addi %add3A_29, %add3A_76 : i32
        %mul3A_78 = arith.constant 32 : i32
        %mul3A_79 = arith.muli %add3A_77, %mul3A_78 : i32
        %dma_start3A_80 = tpu.memref_slice %arg5[%mul3A_79] : memref<1024xi32, #tpu.memory_space<vmem>> -> memref<32xi32, #tpu.memory_space<vmem>>
        %dma_start3A_81 = arith.constant 0 : i32
        %dma_start3A_82 = arith.constant 0 : i32
        %dma_start3A_83 = tpu.memref_slice %arg2[%dma_start3A_81, %dma_start3A_82] : memref<1024x1024xf32, #tpu.memory_space<hbm>> -> memref<1024x1024xf32, #tpu.memory_space<hbm>>
        tpu.enqueue_indirect_dma source(%dma_start3A_83 : memref<1024x1024xf32, #tpu.memory_space<hbm>>) target(%arg7 : memref<32x1024xf32, #tpu.memory_space<vmem>>) offsets(%dma_start3A_80 : memref<32xi32, #tpu.memory_space<vmem>>) semaphore(%arg9 : memref<!tpu.dma_semaphore, #tpu.memory_space<semaphore_mem>>)
      } else {
      }
      %mul3A_47 = arith.constant 2 : i32
      %mul3A_48 = arith.muli %scan3A_24, %mul3A_47 : i32
      %add3A_49 = arith.constant 1 : i32
      %add3A_50 = arith.addi %mul3A_48, %add3A_49 : i32
      %mul3A_51 = arith.constant 32 : i32
      %mul3A_52 = arith.muli %add3A_50, %mul3A_51 : i32
      %dma_wait3A_53 = tpu.memref_slice %arg5[%mul3A_52] : memref<1024xi32, #tpu.memory_space<vmem>> -> memref<32xi32, #tpu.memory_space<vmem>>
      %dma_wait3A_54 = arith.constant 0 : i32
      %dma_wait3A_55 = arith.constant 0 : i32
      %dma_wait3A_56 = tpu.memref_slice %arg2[%dma_wait3A_54, %dma_wait3A_55] : memref<1024x1024xf32, #tpu.memory_space<hbm>> -> memref<1024x1024xf32, #tpu.memory_space<hbm>>
      tpu.wait_indirect_dma semaphore(%arg9 : memref<!tpu.dma_semaphore, #tpu.memory_space<semaphore_mem>>) src(%dma_wait3A_56 : memref<1024x1024xf32, #tpu.memory_space<hbm>>) dst(%arg7 : memref<32x1024xf32, #tpu.memory_space<vmem>>)
      %mul3A_57 = arith.constant 32 : i32
      %mul3A_58 = arith.muli %add3A_50, %mul3A_57 : i32
      %add3A_59 = arith.addi %mul3A_2, %mul3A_58 : i32
      %dma_start3A_60 = arith.constant 0 : i32
      %dma_start3A_61 = tpu.memref_slice %arg4[%add3A_59, %dma_start3A_60] : memref<32768x1024xf32, #tpu.memory_space<hbm>> -> memref<32x1024xf32, #tpu.memory_space<hbm>>
      %dma_start3A_62 = arith.constant 0 : i32
      %dma_start3A_63 = tpu.memref_slice %arg4[%add3A_59, %dma_start3A_62] : memref<32768x1024xf32, #tpu.memory_space<hbm>> -> memref<32x1024xf32, #tpu.memory_space<hbm>>
      tpu.enqueue_dma source(%arg7 : memref<32x1024xf32, #tpu.memory_space<vmem>>) target(%dma_start3A_63 : memref<32x1024xf32, #tpu.memory_space<hbm>>) target_semaphore(%arg11 : memref<!tpu.dma_semaphore, #tpu.memory_space<semaphore_mem>>)
      %add3A_64 = arith.constant 1 : i32
      %add3A_65 = arith.addi %add3A_50, %add3A_64 : i32
      %lt3A_66 = arith.constant 32 : i32
      %lt3A_67 = arith.cmpi slt, %add3A_65, %lt3A_66 : i32
      %convert_element_type3A_68 = arith.extui %lt3A_67 : i1 to i32
      %cond3A_69 = arith.constant 0 : i32
      %cond3A_70 = arith.cmpi ne, %convert_element_type3A_68, %cond3A_69 : i32
      scf.if %cond3A_70 {
        %ge3A = arith.constant 1 : i32
        %ge3A_72 = arith.cmpi sge, %add3A_50, %ge3A : i32
        %convert_element_type3A_73 = arith.extui %ge3A_72 : i1 to i32
        %cond3A_74 = arith.constant 0 : i32
        %cond3A_75 = arith.cmpi ne, %convert_element_type3A_73, %cond3A_74 : i32
        scf.if %cond3A_75 {
          %sub3A = arith.constant 1 : i32
          %sub3A_84 = arith.subi %add3A_50, %sub3A : i32
          %mul3A_85 = arith.constant 32 : i32
          %mul3A_86 = arith.muli %sub3A_84, %mul3A_85 : i32
          %add3A_87 = arith.addi %mul3A_2, %mul3A_86 : i32
          %dma_wait3A_88 = arith.constant 0 : i32
          %dma_wait3A_89 = tpu.memref_slice %arg4[%add3A_87, %dma_wait3A_88] : memref<32768x1024xf32, #tpu.memory_space<hbm>> -> memref<32x1024xf32, #tpu.memory_space<hbm>>
          %dma_wait3A_90 = arith.constant 0 : i32
          %dma_wait3A_91 = tpu.memref_slice %arg4[%add3A_87, %dma_wait3A_90] : memref<32768x1024xf32, #tpu.memory_space<hbm>> -> memref<32x1024xf32, #tpu.memory_space<hbm>>
          tpu.wait_dma2 semaphore(%arg10 : memref<!tpu.dma_semaphore, #tpu.memory_space<semaphore_mem>>) src(%arg6 : memref<32x1024xf32, #tpu.memory_space<vmem>>) dst(%dma_wait3A_91 : memref<32x1024xf32, #tpu.memory_space<hbm>>)
        } else {
        }
        %add3A_76 = arith.constant 1 : i32
        %add3A_77 = arith.addi %add3A_50, %add3A_76 : i32
        %mul3A_78 = arith.constant 32 : i32
        %mul3A_79 = arith.muli %add3A_77, %mul3A_78 : i32
        %dma_start3A_80 = tpu.memref_slice %arg5[%mul3A_79] : memref<1024xi32, #tpu.memory_space<vmem>> -> memref<32xi32, #tpu.memory_space<vmem>>
        %dma_start3A_81 = arith.constant 0 : i32
        %dma_start3A_82 = arith.constant 0 : i32
        %dma_start3A_83 = tpu.memref_slice %arg2[%dma_start3A_81, %dma_start3A_82] : memref<1024x1024xf32, #tpu.memory_space<hbm>> -> memref<1024x1024xf32, #tpu.memory_space<hbm>>
        tpu.enqueue_indirect_dma source(%dma_start3A_83 : memref<1024x1024xf32, #tpu.memory_space<hbm>>) target(%arg6 : memref<32x1024xf32, #tpu.memory_space<vmem>>) offsets(%dma_start3A_80 : memref<32xi32, #tpu.memory_space<vmem>>) semaphore(%arg8 : memref<!tpu.dma_semaphore, #tpu.memory_space<semaphore_mem>>)
      } else {
      }
      %scan3A_71 = arith.constant 0 : i32
      scf.yield %scan3A_71 : i32
    }
    %scan3A_12 = arith.constant 16 : i32
    %add3A_13 = arith.constant 960 : i32
    %add3A_14 = arith.addi %mul3A_2, %add3A_13 : i32
    %dma_wait3A = arith.constant 0 : i32
    %dma_wait3A_15 = tpu.memref_slice %arg4[%add3A_14, %dma_wait3A] : memref<32768x1024xf32, #tpu.memory_space<hbm>> -> memref<32x1024xf32, #tpu.memory_space<hbm>>
    %dma_wait3A_16 = arith.constant 0 : i32
    %dma_wait3A_17 = tpu.memref_slice %arg4[%add3A_14, %dma_wait3A_16] : memref<32768x1024xf32, #tpu.memory_space<hbm>> -> memref<32x1024xf32, #tpu.memory_space<hbm>>
    tpu.wait_dma2 semaphore(%arg10 : memref<!tpu.dma_semaphore, #tpu.memory_space<semaphore_mem>>) src(%arg6 : memref<32x1024xf32, #tpu.memory_space<vmem>>) dst(%dma_wait3A_17 : memref<32x1024xf32, #tpu.memory_space<hbm>>)
    %add3A_18 = arith.constant 992 : i32
    %add3A_19 = arith.addi %mul3A_2, %add3A_18 : i32
    %dma_wait3A_20 = arith.constant 0 : i32
    %dma_wait3A_21 = tpu.memref_slice %arg4[%add3A_19, %dma_wait3A_20] : memref<32768x1024xf32, #tpu.memory_space<hbm>> -> memref<32x1024xf32, #tpu.memory_space<hbm>>
    %dma_wait3A_22 = arith.constant 0 : i32
    %dma_wait3A_23 = tpu.memref_slice %arg4[%add3A_19, %dma_wait3A_22] : memref<32768x1024xf32, #tpu.memory_space<hbm>> -> memref<32x1024xf32, #tpu.memory_space<hbm>>
    tpu.wait_dma2 semaphore(%arg11 : memref<!tpu.dma_semaphore, #tpu.memory_space<semaphore_mem>>) src(%arg7 : memref<32x1024xf32, #tpu.memory_space<vmem>>) dst(%dma_wait3A_23 : memref<32x1024xf32, #tpu.memory_space<hbm>>)
    return
  }
}

module attributes {stable_mosaic.version = 14 : i64} {
  func.func @_prep_body(%arg0: memref<1024x1024xf32, #tpu.memory_space<vmem>>, %arg1: memref<1024x256xf32, #tpu.memory_space<vmem>>, %arg2: memref<1024x1024xf32, #tpu.memory_space<vmem>>, %arg3: memref<1x1024xf32, #tpu.memory_space<vmem>>) attributes {dimension_semantics = [], scalar_prefetch = 0 : i64, scratch_operands = 0 : i64, tpu.core_type = #tpu.core_type<tc>} {
    %get3A = arith.constant 0 : index
    %get3A_0 = arith.constant 0 : index
    %get3A_1 = vector.load %arg0[%get3A, %get3A_0] : memref<1024x1024xf32, #tpu.memory_space<vmem>>, vector<1024x1024xf32>
    %logistic3A = arith.negf %get3A_1 : vector<1024x1024xf32>
    %logistic3A_2 = math.exp %logistic3A : vector<1024x1024xf32>
    %logistic3A_3 = arith.constant 1.000000e+00 : f32
    %logistic3A_4 = vector.broadcast %logistic3A_3 : f32 to vector<1024x1024xf32>
    %logistic3A_5 = arith.addf %logistic3A_4, %logistic3A_2 : vector<1024x1024xf32>
    %logistic3A_6 = arith.divf %logistic3A_4, %logistic3A_5 : vector<1024x1024xf32>
    %mul3A = arith.constant 4.000000e-01 : f32
    %mul3A_7 = vector.broadcast %mul3A : f32 to vector<1024x1024xf32>
    %mul3A_8 = arith.mulf %mul3A_7, %logistic3A_6 : vector<1024x1024xf32>
    %swap3A = arith.constant 0 : index
    %swap3A_9 = arith.constant 0 : index
    %swap3A_10 = vector.load %arg2[%swap3A, %swap3A_9] : memref<1024x1024xf32, #tpu.memory_space<vmem>>, vector<1024x1024xf32>
    tpu.vector_store %arg2[%swap3A, %swap3A_9], %mul3A_8 {strides = array<i32>} : memref<1024x1024xf32, #tpu.memory_space<vmem>>, vector<1024x1024xf32>,
    %get3A_11 = arith.constant 0 : index
    %get3A_12 = arith.constant 0 : index
    %get3A_13 = vector.load %arg1[%get3A_11, %get3A_12] : memref<1024x256xf32, #tpu.memory_space<vmem>>, vector<1024x256xf32>
    %mul3A_14 = arith.mulf %get3A_13, %get3A_13 : vector<1024x256xf32>
    %reduce_sum3A = arith.constant dense<0.000000e+00> : vector<1024xf32>
    %reduce_sum3A_15 = vector.multi_reduction <add>, %mul3A_14, %reduce_sum3A [1] : vector<1024x256xf32> to vector<1024xf32>
    %swap3A_16 = arith.constant 0 : index
    %swap3A_17 = arith.constant 0 : index
    %swap3A_18 = vector.load %arg3[%swap3A_16, %swap3A_17] : memref<1x1024xf32, #tpu.memory_space<vmem>>, vector<1x1024xf32>
    %swap3A_19 = vector.shape_cast %swap3A_18 : vector<1x1024xf32> to vector<1024xf32>
    %swap3A_20 = vector.shape_cast %reduce_sum3A_15 : vector<1024xf32> to vector<1x1024xf32>
    tpu.vector_store %arg3[%swap3A_16, %swap3A_17], %swap3A_20 {strides = array<i32>} : memref<1x1024xf32, #tpu.memory_space<vmem>>, vector<1x1024xf32>,
    return
  }
}

module attributes {stable_mosaic.version = 14 : i64} {
  func.func @_vq_body(%arg0: i32, %arg1: memref<1024x128xf32, #tpu.memory_space<vmem>>, %arg2: memref<1024x128xf32, #tpu.memory_space<vmem>>, %arg3: memref<1024x128xf32, #tpu.memory_space<vmem>>, %arg4: memref<1024x128xf32, #tpu.memory_space<vmem>>, %arg5: memref<1024x1024xf32, #tpu.memory_space<vmem>>, %arg6: memref<1024x256xf32, #tpu.memory_space<vmem>>, %arg7: memref<256x1024xf32, #tpu.memory_space<vmem>>, %arg8: memref<1x1024xf32, #tpu.memory_space<vmem>>, %arg9: memref<1x1024xf32, #tpu.memory_space<vmem>>, %arg10: memref<1x1x1024xi32, #tpu.memory_space<vmem>>, %arg11: memref<1024x256xf32, #tpu.memory_space<vmem>>, %arg12: memref<1x1xf32, #tpu.memory_space<vmem>>) attributes {dimension_semantics = [#tpu.dimension_semantics<arbitrary>], iteration_bounds = array<i64: 32>, scalar_prefetch = 0 : i64, scratch_operands = 0 : i64, tpu.core_type = #tpu.core_type<tc>, window_params = [{transform_indices = @transform_0, window_bounds = array<i64: 1024, 128>}, {transform_indices = @transform_1, window_bounds = array<i64: 1024, 128>}, {transform_indices = @transform_2, window_bounds = array<i64: 1024, 128>}, {transform_indices = @transform_3, window_bounds = array<i64: 1024, 128>}, {transform_indices = @transform_4, window_bounds = array<i64: 1024, 1024>}, {pipeline_mode = #tpu.pipeline_mode<synchronous>, transform_indices = @transform_5, window_bounds = array<i64: 1024, 256>}, {pipeline_mode = #tpu.pipeline_mode<synchronous>, transform_indices = @transform_6, window_bounds = array<i64: 256, 1024>}, {pipeline_mode = #tpu.pipeline_mode<synchronous>, transform_indices = @transform_7, window_bounds = array<i64: 1, 1024>}, {pipeline_mode = #tpu.pipeline_mode<synchronous>, transform_indices = @transform_8, window_bounds = array<i64: 1, 1024>}, {transform_indices = @transform_9, window_bounds = array<i64: 1, 1, 1024>}, {transform_indices = @transform_10, window_bounds = array<i64: 1024, 256>}, {pipeline_mode = #tpu.pipeline_mode<synchronous>, transform_indices = @transform_11, window_bounds = array<i64: 1, 1>}]} {
    %get3A = arith.constant 0 : index
    %get3A_0 = arith.constant 0 : index
    %get3A_1 = vector.load %arg1[%get3A, %get3A_0] : memref<1024x128xf32, #tpu.memory_space<vmem>>, vector<1024x128xf32>
    %get3A_2 = arith.constant 0 : index
    %get3A_3 = arith.constant 0 : index
    %get3A_4 = vector.load %arg2[%get3A_2, %get3A_3] : memref<1024x128xf32, #tpu.memory_space<vmem>>, vector<1024x128xf32>
    %concatenate3A = tpu.concatenate %get3A_1, %get3A_4 in 1 : vector<1024x128xf32>, vector<1024x128xf32> -> vector<1024x256xf32>
    %get3A_5 = arith.constant 0 : index
    %get3A_6 = arith.constant 0 : index
    %get3A_7 = vector.load %arg3[%get3A_5, %get3A_6] : memref<1024x128xf32, #tpu.memory_space<vmem>>, vector<1024x128xf32>
    %get3A_8 = arith.constant 0 : index
    %get3A_9 = arith.constant 0 : index
    %get3A_10 = vector.load %arg4[%get3A_8, %get3A_9] : memref<1024x128xf32, #tpu.memory_space<vmem>>, vector<1024x128xf32>
    %concatenate3A_11 = tpu.concatenate %get3A_7, %get3A_10 in 1 : vector<1024x128xf32>, vector<1024x128xf32> -> vector<1024x256xf32>
    %get3A_12 = arith.constant 0 : index
    %get3A_13 = arith.constant 0 : index
    %get3A_14 = vector.load %arg6[%get3A_12, %get3A_13] : memref<1024x256xf32, #tpu.memory_space<vmem>>, vector<1024x256xf32>
    %dot_general3A = arith.constant dense<0.000000e+00> : vector<1024x1024xf32>
    %dot_general3A_15 = tpu.matmul %concatenate3A, %get3A_14, %dot_general3A {dimension_numbers = #tpu.dot_dimension_numbers<[1], [1], [0], [0], [0, 0, 1, 0], [], []>, transpose_lhs_hint = false} : vector<1024x256xf32>, vector<1024x256xf32>, vector<1024x1024xf32> -> vector<1024x1024xf32>
    %get3A_16 = arith.constant 0 : index
    %get3A_17 = arith.constant 0 : index
    %get3A_18 = vector.load %arg7[%get3A_16, %get3A_17] : memref<256x1024xf32, #tpu.memory_space<vmem>>, vector<256x1024xf32>
    %dot_general3A_19 = arith.constant dense<0.000000e+00> : vector<1024x1024xf32>
    %dot_general3A_20 = tpu.matmul %concatenate3A_11, %get3A_18, %dot_general3A_19 {dimension_numbers = #tpu.dot_dimension_numbers<[1], [0], [0], [1], [0, 0, 1, 1], [], []>, transpose_lhs_hint = false} : vector<1024x256xf32>, vector<256x1024xf32>, vector<1024x1024xf32> -> vector<1024x1024xf32>
    %get3A_21 = arith.constant 0 : index
    %get3A_22 = arith.constant 0 : index
    %get3A_23 = vector.load %arg8[%get3A_21, %get3A_22] : memref<1x1024xf32, #tpu.memory_space<vmem>>, vector<1x1024xf32>
    %get3A_24 = vector.shape_cast %get3A_23 : vector<1x1024xf32> to vector<1024xf32>
    %broadcast_in_dim3A = vector.shape_cast %get3A_24 : vector<1024xf32> to vector<1x1024xf32>
    %add3A = vector.broadcast %broadcast_in_dim3A : vector<1x1024xf32> to vector<1024x1024xf32>
    %add3A_25 = arith.addf %dot_general3A_20, %add3A : vector<1024x1024xf32>
    %get3A_26 = arith.constant 0 : index
    %get3A_27 = arith.constant 0 : index
    %get3A_28 = vector.load %arg9[%get3A_26, %get3A_27] : memref<1x1024xf32, #tpu.memory_space<vmem>>, vector<1x1024xf32>
    %get3A_29 = vector.shape_cast %get3A_28 : vector<1x1024xf32> to vector<1024xf32>
    %broadcast_in_dim3A_30 = vector.shape_cast %get3A_29 : vector<1024xf32> to vector<1x1024xf32>
    %mul3A = arith.constant 2.000000e+00 : f32
    %mul3A_31 = vector.broadcast %mul3A : f32 to vector<1024x1024xf32>
    %mul3A_32 = arith.mulf %mul3A_31, %dot_general3A_15 : vector<1024x1024xf32>
    %sub3A = vector.broadcast %broadcast_in_dim3A_30 : vector<1x1024xf32> to vector<1024x1024xf32>
    %sub3A_33 = arith.subf %sub3A, %mul3A_32 : vector<1024x1024xf32>
    %get3A_34 = arith.constant 0 : index
    %get3A_35 = arith.constant 0 : index
    %get3A_36 = vector.load %arg5[%get3A_34, %get3A_35] : memref<1024x1024xf32, #tpu.memory_space<vmem>>, vector<1024x1024xf32>
    %tanh3A = math.tanh %add3A_25 : vector<1024x1024xf32>
    %add3A_37 = arith.constant 2.000000e+00 : f32
    %add3A_38 = vector.broadcast %add3A_37 : f32 to vector<1024x1024xf32>
    %add3A_39 = arith.addf %add3A_38, %tanh3A : vector<1024x1024xf32>
    %mul3A_40 = arith.mulf %get3A_36, %add3A_39 : vector<1024x1024xf32>
    %sub3A_41 = arith.subf %sub3A_33, %mul3A_40 : vector<1024x1024xf32>
    %reduce_min3A = arith.constant dense<0x7F800000> : vector<1024xf32>
    %reduce_min3A_42 = vector.multi_reduction <minimumf>, %sub3A_41, %reduce_min3A [1] : vector<1024x1024xf32> to vector<1024xf32>
    %broadcast_in_dim3A_43 = vector.shape_cast %reduce_min3A_42 : vector<1024xf32> to vector<1024x1xf32>
    %iota3A = tpu.iota {dimensions = array<i32: 1>} : vector<1024x1024xi32>
    %eq3A = vector.broadcast %broadcast_in_dim3A_43 : vector<1024x1xf32> to vector<1024x1024xf32>
    %eq3A_44 = arith.cmpf oeq, %sub3A_41, %eq3A : vector<1024x1024xf32>
    %jit3A = arith.constant 1024 : i32
    %broadcast_in_dim3A_45 = vector.broadcast %jit3A : i32 to vector<1024x1024xi32>
    %select_n3A = arith.select %eq3A_44, %iota3A, %broadcast_in_dim3A_45 : vector<1024x1024xi1>, vector<1024x1024xi32>
    %reduce_min3A_46 = arith.constant dense<2147483647> : vector<1024xi32>
    %reduce_min3A_47 = vector.multi_reduction <minsi>, %select_n3A, %reduce_min3A_46 [1] : vector<1024x1024xi32> to vector<1024xi32>
    %swap3A = arith.constant 0 : index
    %swap3A_48 = arith.constant 0 : index
    %swap3A_49 = arith.constant 0 : index
    %swap3A_50 = vector.load %arg10[%swap3A, %swap3A_48, %swap3A_49] : memref<1x1x1024xi32, #tpu.memory_space<vmem>>, vector<1x1x1024xi32>
    %swap3A_51 = vector.shape_cast %swap3A_50 : vector<1x1x1024xi32> to vector<1024xi32>
    %swap3A_52 = vector.shape_cast %reduce_min3A_47 : vector<1024xi32> to vector<1x1x1024xi32>
    tpu.vector_store %arg10[%swap3A, %swap3A_48, %swap3A_49], %swap3A_52 {strides = array<i32>} : memref<1x1x1024xi32, #tpu.memory_space<vmem>>, vector<1x1x1024xi32>,
    %broadcast_in_dim3A_53 = vector.shape_cast %reduce_min3A_47 : vector<1024xi32> to vector<1024x1xi32>
    %eq3A_54 = vector.broadcast %broadcast_in_dim3A_53 : vector<1024x1xi32> to vector<1024x1024xi32>
    %eq3A_55 = arith.cmpi eq, %iota3A, %eq3A_54 : vector<1024x1024xi32>
    %convert_element_type3A = arith.extui %eq3A_55 : vector<1024x1024xi1> to vector<1024x1024xi32>
    %convert_element_type3A_56 = arith.sitofp %convert_element_type3A : vector<1024x1024xi32> to vector<1024x1024xf32>
    %dot_general3A_57 = arith.constant dense<0.000000e+00> : vector<1024x256xf32>
    %dot_general3A_58 = tpu.matmul %convert_element_type3A_56, %get3A_14, %dot_general3A_57 {dimension_numbers = #tpu.dot_dimension_numbers<[1], [0], [0], [1], [0, 0, 1, 1], [], []>, transpose_lhs_hint = false} : vector<1024x1024xf32>, vector<1024x256xf32>, vector<1024x256xf32> -> vector<1024x256xf32>
    %swap3A_59 = arith.constant 0 : index
    %swap3A_60 = arith.constant 0 : index
    %swap3A_61 = vector.load %arg11[%swap3A_59, %swap3A_60] : memref<1024x256xf32, #tpu.memory_space<vmem>>, vector<1024x256xf32>
    tpu.vector_store %arg11[%swap3A_59, %swap3A_60], %dot_general3A_58 {strides = array<i32>} : memref<1024x256xf32, #tpu.memory_space<vmem>>, vector<1024x256xf32>,
    %sub3A_62 = arith.subf %dot_general3A_58, %concatenate3A : vector<1024x256xf32>
    %mul3A_63 = arith.mulf %sub3A_62, %sub3A_62 : vector<1024x256xf32>
    %reduce_sum3A = vector.shape_cast %mul3A_63 : vector<1024x256xf32> to vector<1x1024x256xf32>
    %reduce_sum3A_64 = arith.constant dense<0.000000e+00> : vector<1xf32>
    %reduce_sum3A_65 = vector.multi_reduction <add>, %reduce_sum3A, %reduce_sum3A_64 [1, 2] : vector<1x1024x256xf32> to vector<1xf32>
    %reduce_sum3A_66 = vector.shape_cast %reduce_sum3A_65 : vector<1xf32> to vector<1x1x1xf32>
    %reduce_sum3A_67 = vector.extract %reduce_sum3A_66[0, 0, 0] : f32 from vector<1x1x1xf32>
    %reshape3A = vector.broadcast %reduce_sum3A_67 : f32 to vector<1x1xf32>
    %eq3A_68 = arith.constant 0 : i32
    %eq3A_69 = arith.cmpi eq, %arg0, %eq3A_68 : i32
    %convert_element_type3A_70 = arith.extui %eq3A_69 : i1 to i32
    %cond3A = arith.constant 0 : i32
    %cond3A_71 = arith.cmpi ne, %convert_element_type3A_70, %cond3A : i32
    scf.if %cond3A_71 {
      %broadcast_in_dim3A_79 = arith.constant 0.000000e+00 : f32
      %broadcast_in_dim3A_80 = vector.broadcast %broadcast_in_dim3A_79 : f32 to vector<1x1xf32>
      %swap3A_81 = arith.constant 0 : index
      %swap3A_82 = arith.constant 0 : index
      %swap3A_83 = vector.load %arg12[%swap3A_81, %swap3A_82] : memref<1x1xf32, #tpu.memory_space<vmem>>, vector<1x1xf32>
      tpu.vector_store %arg12[%swap3A_81, %swap3A_82], %broadcast_in_dim3A_80 {strides = array<i32>} : memref<1x1xf32, #tpu.memory_space<vmem>>, vector<1x1xf32>,
    } else {
    }
    %get3A_72 = arith.constant 0 : index
    %get3A_73 = arith.constant 0 : index
    %get3A_74 = vector.load %arg12[%get3A_72, %get3A_73] : memref<1x1xf32, #tpu.memory_space<vmem>>, vector<1x1xf32>
    %add3A_75 = arith.addf %get3A_74, %reshape3A : vector<1x1xf32>
    %swap3A_76 = arith.constant 0 : index
    %swap3A_77 = arith.constant 0 : index
    %swap3A_78 = vector.load %arg12[%swap3A_76, %swap3A_77] : memref<1x1xf32, #tpu.memory_space<vmem>>, vector<1x1xf32>
    tpu.vector_store %arg12[%swap3A_76, %swap3A_77], %add3A_75 {strides = array<i32>} : memref<1x1xf32, #tpu.memory_space<vmem>>, vector<1x1xf32>,
    return
  }
  func.func @transform_0(%arg0: i32) -> (i32, i32) {
    %c0_i32 = arith.constant 0 : i32
    %c0_i32_0 = arith.constant 0 : i32
    return %arg0, %c0_i32 : i32, i32
  }
  func.func @transform_1(%arg0: i32) -> (i32, i32) {
    %c0_i32 = arith.constant 0 : i32
    %c0_i32_0 = arith.constant 0 : i32
    return %arg0, %c0_i32 : i32, i32
  }
  func.func @transform_2(%arg0: i32) -> (i32, i32) {
    %c0_i32 = arith.constant 0 : i32
    %c0_i32_0 = arith.constant 0 : i32
    return %arg0, %c0_i32 : i32, i32
  }
  func.func @transform_3(%arg0: i32) -> (i32, i32) {
    %c0_i32 = arith.constant 0 : i32
    %c0_i32_0 = arith.constant 0 : i32
    return %arg0, %c0_i32 : i32, i32
  }
  func.func @transform_4(%arg0: i32) -> (i32, i32) {
    %c0_i32 = arith.constant 0 : i32
    %c0_i32_0 = arith.constant 0 : i32
    return %arg0, %c0_i32 : i32, i32
  }
  func.func @transform_5(%arg0: i32) -> (i32, i32) {
    %c0_i32 = arith.constant 0 : i32
    %c0_i32_0 = arith.constant 0 : i32
    %c0_i32_1 = arith.constant 0 : i32
    return %c0_i32, %c0_i32_0 : i32, i32
  }
  func.func @transform_6(%arg0: i32) -> (i32, i32) {
    %c0_i32 = arith.constant 0 : i32
    %c0_i32_0 = arith.constant 0 : i32
    %c0_i32_1 = arith.constant 0 : i32
    return %c0_i32, %c0_i32_0 : i32, i32
  }
  func.func @transform_7(%arg0: i32) -> (i32, i32) {
    %c0_i32 = arith.constant 0 : i32
    %c0_i32_0 = arith.constant 0 : i32
    %c0_i32_1 = arith.constant 0 : i32
    return %c0_i32, %c0_i32_0 : i32, i32
  }
  func.func @transform_8(%arg0: i32) -> (i32, i32) {
    %c0_i32 = arith.constant 0 : i32
    %c0_i32_0 = arith.constant 0 : i32
    %c0_i32_1 = arith.constant 0 : i32
    return %c0_i32, %c0_i32_0 : i32, i32
  }
  func.func @transform_9(%arg0: i32) -> (i32, i32, i32) {
    %c0_i32 = arith.constant 0 : i32
    %c0_i32_0 = arith.constant 0 : i32
    %c0_i32_1 = arith.constant 0 : i32
    return %arg0, %c0_i32, %c0_i32_0 : i32, i32, i32
  }
  func.func @transform_10(%arg0: i32) -> (i32, i32) {
    %c0_i32 = arith.constant 0 : i32
    %c0_i32_0 = arith.constant 0 : i32
    return %arg0, %c0_i32 : i32, i32
  }
  func.func @transform_11(%arg0: i32) -> (i32, i32) {
    %c0_i32 = arith.constant 0 : i32
    %c0_i32_0 = arith.constant 0 : i32
    %c0_i32_1 = arith.constant 0 : i32
    return %c0_i32, %c0_i32_0 : i32, i32
  }
}

</mosaic_0001>

<sc_bundles>
// kernel: kernel.5.cloned.1.call-start
scs
__scs_entry_jumppad:
0x0: {  	(pc) =	sbr.rel $0x88, $3  }
0x1: {  	(tag) =	ssettag $0x0;
	lr =	simm.s32 $0x1  }
0x2: {  	[smem:$0x3F98] =	sst lr;
	_ =	strace $0xD0000000  }
0x3: {  	_ = 	snop  }
0x4: {  	_ = 	snop  }
0x5: {  	_ = 	snop  }
0x6: {  	_ = 	snop  }
0x7: {  	_ = 	snop  }
__scs_overlays_trampoline_lowered:
0x8: {  	[smem:$0x3FA7] =	sst s0  }
0x9: {  	[smem:$0x3FA8] =	sst s1  }
0xa: {  	[smem:$0x3FA9] =	sst s2  }
0xb: {  	[smem:$0x3FAA] =	sst s3  }
0xc: {  	[smem:$0x3FAB] =	sst s4  }
0xd: {  	[smem:$0x3FAC] =	sst s5  }
0xe: {  	[smem:$0x3FAD] =	sst s6  }
0xf: {  	[smem:$0x3FAE] =	sst s7  }
0x10: {  	[smem:$0x3FAF] =	sst s8  }
0x11: {  	[smem:$0x3FB0] =	sst s9;
	s0 =	simm.s32 @!p0 $0x0  }
0x12: {  	s1 =	sld [smem:$0x3F96];
	s0 =	simm.s32 @p0 $0x1  }
0x13: {  	[smem:$0x3FB1] =	sst s0;
	s0 =	simm.s32 @!p1 $0x0  }
0x14: {  	s2 =	sld [smem:$0x3F95];
	s0 =	simm.s32 @p1 $0x1  }
0x15: {  	[smem:$0x3FB2] =	sst s0;
	s0 =	simm.s32 @!p2 $0x0  }
0x16: {  	s3 =	sld [smem:$0x3FDB];
	s0 =	simm.s32 @p2 $0x1  }
0x17: {  	s4 =	simm.s32 $0x1BF5;
	[smem:$0x3FB4] =	sst s0  }
0x18: {  	s0 =	sld [smem:$0x3F97];
	_ =	swait.ge [sflag:s4], $0x0  }
0x19: {  	s7 =	sld [smem:$0x3F98]  }
0x1a: {  	s8 =	sadd.s32 $0xFFFFE003, lr  }
0x1b: {  	s9 =	sadd.s32 $0xFFFFFEF7, lr;
	s5 =	simm.s32 $0xFFFFFFFF;
	p2 =	slt.u32 s8, $0xFFFFF086  }
0x1c: {  	p1 =	slt.u32 s9, $0xF7A;
	s5 =	simm.s32 @!p2 $0x0  }
0x1d: {  	s5 =	simm.s32 @p1 $0x1;
	p0 =	seq.s32 s7, s2  }
0x1e: {  	s7 =	smul.u32 @!p0 $0xF7A, s2;
	p2 =	seq.s32 @!p0 s5, $0x0  }
0x1f: {  	s9 =	smul.u32 $0xF7A, s1;
	s8 =	simm.s32 @!p0 $0x1BF5;
	p2 =	por !p2, p0  }
0x20: {  	[sflag:s8] =	ssyncset.s32 @!p0 $0xFFFFF086;
	s6 =	sadd.s32 @!p0 s3, s7;
	s7 =	simm.s32 @!p0 $0x108  }
0x21: {  	s3 =	sadd.s32 s3, s9;
	s6 =	sadd.s32 @!p0 $0x88, s6;
	s7 =	simm.s32 @p2 $0x1082  }
0x22: {  	[simem:s7], [sflag:s8] =	dma.local @!p0 [hbm:s6], $0xF7A  }
0x23: {  	s9 =	sor.u32 $0xD0000000, s2;
	s6 =	simm.s32 $0x108;
	_ =	swait.ge @!p0 [sflag:s8], $0x0  }
0x24: {  	s3 =	sadd.s32 $0x88, s3;
	s6 =	simm.s32 @!p1 $0x1082;
	[sflag:s4] =	ssyncset.s32 $0xFFFFF086  }
0x25: {  	[simem:s6], [sflag:s4] =	dma.local [hbm:s3], $0xF7A  }
0x26: {  	[smem:$0x3F98] =	sst s1;
	(tag) =	ssettag s2;
	_ =	strace s9  }
0x27: {  	s1 =	sld [smem:$0x3FA8]  }
0x28: {  	s2 =	sld [smem:$0x3FA9]  }
0x29: {  	s4 =	sld [smem:$0x3FAB]  }
0x2a: {  	p0 =	seq.s32 s5, $0x0;
	s5 =	sld [smem:$0x3FAC]  }
0x2b: {  	s6 =	sld [smem:$0x3FAD]  }
0x2c: {  	s7 =	sld [smem:$0x3FAE]  }
0x2d: {  	s3 =	simm.s32 $0x108;
	s8 =	sld [smem:$0x3FAF]  }
0x2e: {  	s3 =	simm.s32 @!p0 $0x1082;
	s9 =	sld [smem:$0x3FB0]  }
0x2f: {  	lr =	sadd.s32 s0, s3;
	s0 =	sld [smem:$0x3FA7]  }
0x30: {  	s3 =	sld [smem:$0x3FAA]  }
0x31: {  	[smem:$0x3FB3] =	sst s10  }
0x32: {  	s10 =	sld [smem:$0x3FB1];
	_ =	sdelay $0x3  }
0x33: {  	p0 =	seq.s32 s10, $0x1;
	s10 =	sld [smem:$0x3FB3];
	_ =	sdelay $0x3  }
0x34: {  	[smem:$0x3FB3] =	sst s10  }
0x35: {  	s10 =	sld [smem:$0x3FB2];
	_ =	sdelay $0x3  }
0x36: {  	p1 =	seq.s32 s10, $0x1;
	s10 =	sld [smem:$0x3FB3];
	_ =	sdelay $0x3  }
0x37: {  	[smem:$0x3FB3] =	sst s10  }
0x38: {  	s10 =	sld [smem:$0x3FB4]  }
0x39: {  	_ = 	snop;
	(pc) =	sbr.ind lr, $3  }
0x3a: {  	_ = 	snop  }
0x3b: {  	_ = 	snop  }
0x3c: {  	p2 =	seq.s32 s10, $0x1;
	s10 =	sld [smem:$0x3FB3]  }
0x3d: {  	_ =	shalt  }
0x3e: {  	_ =	shalt  }
0x3f: {  	_ =	shalt  }
0x40: {  	_ =	shalt  }
0x41: {  	_ =	shalt  }
0x42: {  	_ =	shalt  }
0x43: {  	_ =	shalt  }
0x44: {  	_ =	shalt  }
0x45: {  	_ =	shalt  }
0x46: {  	_ =	shalt  }
0x47: {  	_ =	shalt  }
0x48: {  	_ =	shalt  }
0x49: {  	_ =	shalt  }
0x4a: {  	_ =	shalt  }
0x4b: {  	_ =	shalt  }
0x4c: {  	_ =	shalt  }
0x4d: {  	_ =	shalt  }
0x4e: {  	_ =	shalt  }
0x4f: {  	_ =	shalt  }
0x50: {  	_ =	shalt  }
0x51: {  	_ =	shalt  }
0x52: {  	_ =	shalt  }
0x53: {  	_ =	shalt  }
0x54: {  	_ =	shalt  }
0x55: {  	_ =	shalt  }
0x56: {  	_ =	shalt  }
0x57: {  	_ =	shalt  }
0x58: {  	_ =	shalt  }
0x59: {  	_ =	shalt  }
0x5a: {  	_ =	shalt  }
0x5b: {  	_ =	shalt  }
0x5c: {  	_ =	shalt  }
0x5d: {  	_ =	shalt  }
0x5e: {  	_ =	shalt  }
0x5f: {  	_ =	shalt  }
0x60: {  	_ =	shalt  }
0x61: {  	_ =	shalt  }
0x62: {  	_ =	shalt  }
0x63: {  	_ =	shalt  }
0x64: {  	_ =	shalt  }
0x65: {  	_ =	shalt  }
0x66: {  	_ =	shalt  }
0x67: {  	_ =	shalt  }
0x68: {  	_ =	shalt  }
0x69: {  	_ =	shalt  }
0x6a: {  	_ =	shalt  }
0x6b: {  	_ =	shalt  }
0x6c: {  	_ =	shalt  }
0x6d: {  	_ =	shalt  }
0x6e: {  	_ =	shalt  }
0x6f: {  	_ =	shalt  }
0x70: {  	_ =	shalt  }
0x71: {  	_ =	shalt  }
0x72: {  	_ =	shalt  }
0x73: {  	_ =	shalt  }
0x74: {  	_ =	shalt  }
0x75: {  	_ =	shalt  }
0x76: {  	_ =	shalt  }
0x77: {  	_ =	shalt  }
0x78: {  	_ =	shalt  }
0x79: {  	_ =	shalt  }
0x7a: {  	_ =	shalt  }
0x7b: {  	_ =	shalt  }
0x7c: {  	_ =	shalt  }
0x7d: {  	_ =	shalt  }
0x7e: {  	_ =	shalt  }
0x7f: {  	_ =	shalt  }
0x80: {  	_ =	shalt  }
0x81: {  	_ =	shalt  }
0x82: {  	_ =	shalt  }
0x83: {  	_ =	shalt  }
0x84: {  	_ =	shalt  }
0x85: {  	_ =	shalt  }
0x86: {  	_ =	shalt  }
0x87: {  	_ =	shalt  }
.Lfunc_end0:
.L_simem_size_0:
called_computation_lowered:
.L_overlay_start_0:
0x88: {  	s2 =	sld [smem:$0x3FD9]  }
0x89: {  	s3 =	sld [smem:$0x3FFE];
	_ =	sdelay $0x1  }
0x8a: {  	s1 =	srdreg.scid  }
0x8b: {  	s0 =	sand.u32 $0x1, s1  }
0x8c: {  	s14 =	sshll.u32 s0, $0xA;
	s2 =	sadd.s32 s3, s2  }
0x8d: {  	s2 =	sadd.s32 s2, s14  }
0x8e: {  	[smem:$0x3FBF] =	sst s2  }
0x8f: {  	_ = 	snop  }
0x90: {  	s2 =	sld [smem:$0x3FD0];
	_ =	sdelay $0x2  }
0x91: {  	s4 =	simm.s32 $0xA;
	s5 =	simm.s32 $0x10;
	s15 =	sld [smem:$0x3FC5]  }
0x92: {  	[smem:s5], [sflag:s4] =	dma.local [hbm:s2], $0x1  }
0x93: {  	_ =	swait.eq [sflag:s4], $0x1  }
0x94: {  	[sflag:s4] =	ssyncset.done $0x0  }
0x95: {  	[sflag:s4] =	ssyncadd.s32 $0xFFFFFFFF  }
0x96: {  	s16 =	sld [smem:$0x10];
	(tm) =	ssettm $0x1  }
0x97: {  	s17 =	sld [smem:$0x3FFB];
	_ =	sdelay $0x3  }
0x98: {  	_ =	strace s17  }
0x99: {  	s4 =	sld [smem:$0x3FFC];
	_ =	sdelay $0x3  }
0x9a: {  	_ =	strace s4  }
0x9b: {  	s4 =	sld [smem:$0x3FFD];
	_ =	sdelay $0x3  }
0x9c: {  	_ =	strace s4  }
0x9d: {  	_ =	strace $0x8FFFFFFF  }
0x9e: {  	s18 =	sld [smem:$0x3FDB];
	_ =	sdelay $0x1  }
0x9f: {  	s19 =	simm.s32 $_scs_section_size  }
0xa0: {  	s6 =	simm.s32 $_size__tile_overlayer_lowered;
	s7 =	simm.s32 $_tile_overlayer_lowered  }
0xa1: {  	s22 =	simm.s32 $0x1BFF;
	s21 =	sshll.u32 s7, $0x1;
	s4 =	sadd.s32 s19, s18  }
0xa2: {  	s8 =	simm.s32 $0x0;
	s20 =	sshll.u32 s6, $0x1;
	s6 =	sadd.s32 s21, s4  }
0xa3: {  	[timem:s8], [sflag:s22] =	dma.local [hbm:s6], s20  }
0xa4: {  	_ =	swait.ge [sflag:s22], s20  }
0xa5: {  	s5 =	ssub.s32 $0x0, s20;
	[sflag:s22] =	ssyncset.done $0x0  }
0xa6: {  	[sflag:s22] =	ssyncadd.s32 s5;
	_ =	sdelay $0x1  }
0xa7: {  	s23 =	simm.s32 $0x1B8B  }
0xa8: {  	_ =	swait.ge [sflag:s23], $0x1  }
0xa9: {  	[sflag:s23] =	ssyncset.done $0x0  }
0xaa: {  	s25 =	simm.s32 $0x1B8E;
	s24 =	sld [smem:$0x3FFE];
	[sflag:s23] =	ssyncadd.s32 $0xFFFFFFFF  }
0xab: {  	s26 =	simm.s32 $execute0_lowered;
	[smem:$0x3FD2] =	sst s25  }
0xac: {  	s6 =	sshll.u32 s26, $0x1;
	_ =	strace $0x80000046;
	[dreg:$0x1] =	wrdreg $0xFFFFFFFF  }
0xad: {  	s28 =	simm.s32 $_size_execute0_lowered;
	s4 =	sadd.s32 s4, s6;
	[dreg:$0x0] =	wrdreg $0x0  }
0xae: {  	s6 =	sshll.u32 s28, $0x1;
	[dreg:$0x2] =	wrdreg s4  }
0xaf: {  	[dreg:$0x3] =	wrdreg s6  }
0xb0: {  	[dreg:$0x4] =	wrdreg $0xC0  }
0xb1: {  	_ =	task [dreg:s8], $0x5FFFF  }
0xb2: {  	[dreg:$0x1] =	wrdreg $0xFFFFFFFF  }
0xb3: {  	[dreg:$0x0] =	wrdreg $0x60  }
0xb4: {  	[dreg:$0x2] =	wrdreg s16  }
0xb5: {  	[dreg:$0x3] =	wrdreg s15  }
0xb6: {  	[dreg:$0x4] =	wrdreg s24  }
0xb7: {  	[dreg:$0x5] =	wrdreg $0x9  }
0xb8: {  	_ =	task.clear_ibuf [dreg:s8], $0x6FFFF;
	_ =	strace $0x90000046  }
0xb9: {  	s29 =	simm.s32 $0x9;
	_ =	strace $0x80000048  }
0xba: {  	_ =	swait.ge [sflag:s29], $0x1  }
0xbb: {  	[sflag:s29] =	ssyncadd.s32 $0xFFFFFFFF  }
0xbc: {  	_ =	strace $0x90000048  }
0xbd: {  	_ =	sfence  }
0xbe: {  	s30 =	sld [smem:$0x0];
	_ =	sdelay $0x2  }
0xbf: {  	s31 =	sshll.u32 s1, $0xD;
	s1 =	sshrl.u32 s1, $0x2  }
0xc0: {  	s3 =	sand.u32 $0x4000, s31;
	s1 =	sadd.s32 s1, s30  }
0xc1: {  	s0 =	sor.u32 s3, s0;
	s1 =	sshll.u32 s1, $0x11  }
0xc2: {  	s0 =	sor.u32 s1, s0  }
0xc3: {  	s0 =	sadd.s32 $0x8F2B, s0  }
0xc4: {  	[sflag:s0] =	ssyncadd.remote.s32 $0x1  }
0xc5: {  	_ =	sfence.sel $0xFFFF  }
0xc6: {  	[dreg:$0x0] =	wrdreg $0xFFFFFFFF;
	(pc) =	sbr.abs _section_cstart, $3  }
0xc7: {  	[dreg:$0x1] =	wrdreg $0xFFFFFFFF  }
0xc8: {  	_ =	task.clear_ibuf [dreg:s8], $0x2FFFF;
	_ =	strace $0x9FFFFFFF  }
0xc9: {  	(tm) =	ssettm $0x7FFFFFFF  }
tec
execute0_lowered:
.L_overlay_start_1:
0x0: {  	(tag) =	ssettag $0x1  }
0x1: {  	s1 =	rddreg [dreg:$0x0]  }
0x2: {  	s0 =	rddreg [dreg:$0x1]  }
0x3: {  	s2 =	rddreg [dreg:$0x2]  }
0x4: {  	s4 =	srdreg.scid;
	s3 =	simm.s32 $0x0;
	s8 =	stileid.u32  }
0x5: {  	s11 =	simm.s32 $0x400;
	s28 =	simm.s32 $0x1;
	s29 =	simm.s32 $0x8400  }
0x6: {  	s30 =	simm.s32 $0x8C00;
	s31 =	simm.s32 $0x9400;
	s10 =	simm.s32 $0xBC00  }
0x7: {  	s12 =	simm.s32 $0xC400;
	s13 =	simm.s32 $0xCC00;
	s14 =	simm.s32 $0xD400  }
0x8: {  	s15 =	simm.s32 $0xDC00;
	s16 =	simm.s32 $0xE400;
	s17 =	simm.s32 $0xEC00  }
0x9: {  	s18 =	simm.s32 $0xF400;
	s19 =	simm.s32 $0xFC00;
	s20 =	simm.s32 $0x2  }
0xa: {  	s21 =	simm.s32 $0x3;
	s4 =	sand.u32 $0x1, s4;
	[smem:$0x7FF] =	sst s3  }
0xb: {  	s5 =	sshll.u32 s8, $0xB;
	s23 =	sshll.u32 s8, $0x12;
	s6 =	sshll.u32 s4, $0xA  }
0xc: {  	_ =	strace $0x80000047;
	s7 =	ssub.s32 $0x2, s4;
	s2 =	sadd.s32 s23, s2  }
0xd: {  	s25 =	sshll.u32 s4, $0x11;
	s4 =	simm.s32 $0xAC00;
	s5 =	sor.u32 s6, s5  }
0xe: {  	s24 =	sshrl.u32 s7, $0x1;
	s6 =	sadd.s32 $0x200, s1;
	s5 =	sshrl.u32 s5, $0x3  }
.Ltmp0:
0xf: {  	s8 =	ssub.s32 s7, s24;
	s7 =	sadd.s32 $0x300, s1;
	(pc) =	sbr.rel .LBB2_1-.Ltmp0, $4  }
0x10: {  	s24 =	simm.s32 $0x0;
	s0 =	sadd.s32 s0, s5;
	s5 =	sadd.s32 $0x100, s1  }
0x11: {  	v2 =	vlaneseq.u32;
	s26 =	smax.u32 s8, $0x1;
	s8 =	simm.s32 $0xB400;
	[dreg:$0x4] =	wrdreg s0  }
0x12: {  	vm0 =	vmmov $0xffff;
	v1 =	vshrl.u32 v2, $0x3;
	[dreg:$0x5] =	wrdreg s26;
	s0 =	sadd.s32 s25, s2;
	s26 =	simm.s32 $0x7C00  }
0x13: {  	v0 =	vand.u32 $0x7, v2;
	v2 =	vor.u32 $0x8, v2;
	v1 =	vmul.u32 $0x8, v1;
	s2 =	simm.s32 $0xA400;
	s9 =	sadd.s32 $0x1C00, s0;
	s0 =	simm.s32 $0x9C00  }
.LBB2_4:
0x14: {  	s23 =	simm.s32 $0x4  }
0x15: {  	_ =	swait.ge [sflag:s23], $0x8000  }
0x16: {  	s24 =	rddreg [dreg:$0x6]  }
0x17: {  	s22 =	rddreg [dreg:$0x5];
	s24 =	sadd.s32 $0x1, s24  }
0x18: {  	p0 =	sne.s32 s24, s22  }
.Ltmp1:
0x19: {  	_ = 	snop;
	(pc) =	sbr.rel @!p0 .LBB2_5-.Ltmp1, $3  }
0x1a: {  	_ =	sdelay $0x1  }
0x1b: {  	[sflag:s23] =	ssyncset.done $0x0  }
0x1c: {  	[sflag:s23] =	ssyncadd.s32 $0xFFFF8000  }
.LBB2_1:
0x1d: {  	[dreg:$0x6] =	wrdreg s24  }
0x1e: {  	s22 =	rddreg [dreg:$0x4];
	s23 =	simm.s32 $0x5  }
0x1f: {  	[tilespmem:s3], [sflag:$0x5] =	stream.linear.gather [hbm4b:s22+s3], $0x400, $0x38;
	[tilespmem:$0x10400] =	vst v63  }
0x20: {  	_ =	swait.ge [sflag:s23], $0x400  }
0x21: {  	[sflag:s23] =	ssyncset.done $0x0  }
0x22: {  	[sflag:s23] =	ssyncadd.s32 $0xFFFFFC00  }
0x23: {  	v3 =	vld [tilespmem:$0x0];
	_ =	sdelay $0x4  }
0x24: {  	v4 =	vshll.u32 v3, $0x3  }
0x25: {  	v3 =	vand.u32 $0x7, v3;
	v4 =	vand.u32 $0xFFFFFFC0, v4  }
0x26: {  	v3 =	vor.u32 v3, v4  }
0x27: {  	v4 =	vperm.xlane v3, v0;
	_ =	sdelay $0x1  }
0x28: {  	v4 =	vadd.s32 v1, v4;
	_ =	sdelay $0x4  }
0x29: {  	[tilespmem:s11], [sflag:$0x1] =	stream.indirect_vreg.gather [hbm4b:s1+s3], $0x80, v4, vm0, $0xb8;
	[tilespmem:$0x10400] =	vst v63  }
0x2a: {  	s24 =	simm.s32 $0xC00;
	v3 =	vperm.xlane v3, v2  }
0x2b: {  	[tilespmem:s24], [sflag:$0x1] =	stream.indirect_vreg.gather [hbm4b:s5+s3], $0x80, v4, vm0, $0xb8;
	[tilespmem:$0x10400] =	vst v63  }
0x2c: {  	s25 =	simm.s32 $0x1400;
	v3 =	vadd.s32 v1, v3  }
0x2d: {  	[tilespmem:s25], [sflag:$0x1] =	stream.indirect_vreg.gather [hbm4b:s6+s3], $0x80, v4, vm0, $0xb8;
	[tilespmem:$0x10400] =	vst v63  }
0x2e: {  	s23 =	simm.s32 $0x1C00  }
0x2f: {  	[tilespmem:s23], [sflag:$0x1] =	stream.indirect_vreg.gather [hbm4b:s7+s3], $0x80, v4, vm0, $0xb8;
	[tilespmem:$0x10400] =	vst v63  }
0x30: {  	s24 =	simm.s32 $0x2400  }
0x31: {  	[tilespmem:s24], [sflag:$0x1] =	stream.indirect_vreg.gather [hbm4b:s1+s3], $0x80, v3, vm0, $0xb8;
	[tilespmem:$0x10400] =	vst v63  }
0x32: {  	s25 =	simm.s32 $0x2C00  }
0x33: {  	[tilespmem:s25], [sflag:$0x1] =	stream.indirect_vreg.gather [hbm4b:s5+s3], $0x80, v3, vm0, $0xb8;
	[tilespmem:$0x10400] =	vst v63  }
0x34: {  	s23 =	simm.s32 $0x3400  }
0x35: {  	[tilespmem:s23], [sflag:$0x1] =	stream.indirect_vreg.gather [hbm4b:s6+s3], $0x80, v3, vm0, $0xb8;
	[tilespmem:$0x10400] =	vst v63  }
0x36: {  	s24 =	simm.s32 $0x3C00  }
0x37: {  	[tilespmem:s24], [sflag:$0x1] =	stream.indirect_vreg.gather [hbm4b:s7+s3], $0x80, v3, vm0, $0xb8;
	[tilespmem:$0x10400] =	vst v63  }
0x38: {  	v3 =	vld [tilespmem:$0x10];
	_ =	sdelay $0x4  }
0x39: {  	v63 =	vshll.u32 v3, $0x3  }
0x3a: {  	v3 =	vand.u32 $0x7, v3;
	v4 =	vand.u32 $0xFFFFFFC0, v63  }
0x3b: {  	v3 =	vor.u32 v3, v4  }
0x3c: {  	v4 =	vperm.xlane v3, v0;
	_ =	sdelay $0x1  }
0x3d: {  	v4 =	vadd.s32 v1, v4;
	_ =	sdelay $0x3  }
0x3e: {  	s25 =	simm.s32 $0x4400  }
0x3f: {  	[tilespmem:s25], [sflag:$0x1] =	stream.indirect_vreg.gather [hbm4b:s1+s3], $0x80, v4, vm0, $0xb8;
	[tilespmem:$0x10400] =	vst v63  }
0x40: {  	s23 =	simm.s32 $0x4C00;
	v3 =	vperm.xlane v3, v2  }
0x41: {  	[tilespmem:s23], [sflag:$0x1] =	stream.indirect_vreg.gather [hbm4b:s5+s3], $0x80, v4, vm0, $0xb8;
	[tilespmem:$0x10400] =	vst v63  }
0x42: {  	s24 =	simm.s32 $0x5400;
	v3 =	vadd.s32 v1, v3  }
0x43: {  	[tilespmem:s24], [sflag:$0x1] =	stream.indirect_vreg.gather [hbm4b:s6+s3], $0x80, v4, vm0, $0xb8;
	[tilespmem:$0x10400] =	vst v63  }
0x44: {  	s25 =	simm.s32 $0x5C00  }
0x45: {  	[tilespmem:s25], [sflag:$0x1] =	stream.indirect_vreg.gather [hbm4b:s7+s3], $0x80, v4, vm0, $0xb8;
	[tilespmem:$0x10400] =	vst v63  }
0x46: {  	s23 =	simm.s32 $0x6400  }
0x47: {  	[tilespmem:s23], [sflag:$0x1] =	stream.indirect_vreg.gather [hbm4b:s1+s3], $0x80, v3, vm0, $0xb8;
	[tilespmem:$0x10400] =	vst v63  }
0x48: {  	s24 =	simm.s32 $0x6C00  }
0x49: {  	[tilespmem:s24], [sflag:$0x1] =	stream.indirect_vreg.gather [hbm4b:s5+s3], $0x80, v3, vm0, $0xb8;
	[tilespmem:$0x10400] =	vst v63  }
0x4a: {  	s25 =	simm.s32 $0x7400  }
0x4b: {  	[tilespmem:s25], [sflag:$0x1] =	stream.indirect_vreg.gather [hbm4b:s6+s3], $0x80, v3, vm0, $0xb8;
	[tilespmem:$0x10400] =	vst v63  }
0x4c: {  	s22 =	simm.s32 $0x30;
	s23 =	simm.s32 $0x0  }
0x4d: {  	[tilespmem:s26], [sflag:$0x1] =	stream.indirect_vreg.gather [hbm4b:s7+s3], $0x80, v3, vm0, $0xb8;
	[tilespmem:$0x10400] =	vst v63  }
.LBB2_2:
0x4e: {  	_ =	swait.ge [sflag:s28], $0x8000  }
0x4f: {  	p0 =	seq.s32 s23, $0x0;
	[sflag:s28] =	ssyncset.done $0x0  }
0x50: {  	s24 =	sadd.s32 s23, s9;
	s25 =	simm.s32 @!p0 $0x4;
	[sflag:s28] =	ssyncadd.s32 $0xFFFF8000  }
0x51: {  	[hbm4b:s24+s3] =	stream.linear.scatter [tilespmem:s11], [sflag:$0x3], $0x8000, $0x38;
	[tilespmem:$0x10400] =	vst v63  }
0x52: {  	_ =	swait.ge @!p0 [sflag:s25], $0x8000  }
0x53: {  	[sflag:s25] =	ssyncset.done @!p0 $0x0  }
0x54: {  	[sflag:s25] =	ssyncadd.s32 @!p0 $0xFFFF8000  }
0x55: {  	v3 =	vld [tilespmem:s22+$0xFFFFFFF0];
	_ =	sdelay $0x4  }
0x56: {  	v4 =	vshll.u32 v3, $0x3  }
0x57: {  	v3 =	vand.u32 $0x7, v3;
	v4 =	vand.u32 $0xFFFFFFC0, v4  }
0x58: {  	v3 =	vor.u32 v3, v4  }
0x59: {  	v4 =	vperm.xlane v3, v0;
	_ =	sdelay $0x1  }
0x5a: {  	v4 =	vadd.s32 v1, v4;
	_ =	sdelay $0x4  }
0x5b: {  	[tilespmem:s29], [sflag:$0x2] =	stream.indirect_vreg.gather [hbm4b:s1+s3], $0x80, v4, vm0, $0xb8;
	[tilespmem:$0x10400] =	vst v63  }
0x5c: {  	v3 =	vperm.xlane v3, v2  }
0x5d: {  	[tilespmem:s30], [sflag:$0x2] =	stream.indirect_vreg.gather [hbm4b:s5+s3], $0x80, v4, vm0, $0xb8;
	[tilespmem:$0x10400] =	vst v63  }
0x5e: {  	v3 =	vadd.s32 v1, v3  }
0x5f: {  	[tilespmem:s31], [sflag:$0x2] =	stream.indirect_vreg.gather [hbm4b:s6+s3], $0x80, v4, vm0, $0xb8;
	[tilespmem:$0x10400] =	vst v63  }
0x60: {  	_ = 	snop  }
0x61: {  	[tilespmem:s0], [sflag:$0x2] =	stream.indirect_vreg.gather [hbm4b:s7+s3], $0x80, v4, vm0, $0xb8;
	[tilespmem:$0x10400] =	vst v63  }
0x62: {  	_ = 	snop  }
0x63: {  	[tilespmem:s2], [sflag:$0x2] =	stream.indirect_vreg.gather [hbm4b:s1+s3], $0x80, v3, vm0, $0xb8;
	[tilespmem:$0x10400] =	vst v63  }
0x64: {  	_ = 	snop  }
0x65: {  	[tilespmem:s4], [sflag:$0x2] =	stream.indirect_vreg.gather [hbm4b:s5+s3], $0x80, v3, vm0, $0xb8;
	[tilespmem:$0x10400] =	vst v63  }
0x66: {  	_ = 	snop  }
0x67: {  	[tilespmem:s8], [sflag:$0x2] =	stream.indirect_vreg.gather [hbm4b:s6+s3], $0x80, v3, vm0, $0xb8;
	[tilespmem:$0x10400] =	vst v63  }
0x68: {  	_ = 	snop  }
0x69: {  	[tilespmem:s10], [sflag:$0x2] =	stream.indirect_vreg.gather [hbm4b:s7+s3], $0x80, v3, vm0, $0xb8;
	[tilespmem:$0x10400] =	vst v63  }
0x6a: {  	v3 =	vld [tilespmem:s22+$0x0];
	_ =	sdelay $0x4  }
0x6b: {  	v63 =	vshll.u32 v3, $0x3  }
0x6c: {  	v3 =	vand.u32 $0x7, v3;
	v4 =	vand.u32 $0xFFFFFFC0, v63  }
0x6d: {  	v3 =	vor.u32 v3, v4  }
0x6e: {  	v4 =	vperm.xlane v3, v0;
	_ =	sdelay $0x1  }
0x6f: {  	v4 =	vadd.s32 v1, v4;
	_ =	sdelay $0x4  }
0x70: {  	[tilespmem:s12], [sflag:$0x2] =	stream.indirect_vreg.gather [hbm4b:s1+s3], $0x80, v4, vm0, $0xb8;
	[tilespmem:$0x10400] =	vst v63  }
0x71: {  	v3 =	vperm.xlane v3, v2  }
0x72: {  	[tilespmem:s13], [sflag:$0x2] =	stream.indirect_vreg.gather [hbm4b:s5+s3], $0x80, v4, vm0, $0xb8;
	[tilespmem:$0x10400] =	vst v63  }
0x73: {  	v3 =	vadd.s32 v1, v3  }
0x74: {  	[tilespmem:s14], [sflag:$0x2] =	stream.indirect_vreg.gather [hbm4b:s6+s3], $0x80, v4, vm0, $0xb8;
	[tilespmem:$0x10400] =	vst v63  }
0x75: {  	_ = 	snop  }
0x76: {  	[tilespmem:s15], [sflag:$0x2] =	stream.indirect_vreg.gather [hbm4b:s7+s3], $0x80, v4, vm0, $0xb8;
	[tilespmem:$0x10400] =	vst v63  }
0x77: {  	_ = 	snop  }
0x78: {  	[tilespmem:s16], [sflag:$0x2] =	stream.indirect_vreg.gather [hbm4b:s1+s3], $0x80, v3, vm0, $0xb8;
	[tilespmem:$0x10400] =	vst v63  }
0x79: {  	_ = 	snop  }
0x7a: {  	[tilespmem:s17], [sflag:$0x2] =	stream.indirect_vreg.gather [hbm4b:s5+s3], $0x80, v3, vm0, $0xb8;
	[tilespmem:$0x10400] =	vst v63  }
0x7b: {  	_ = 	snop  }
0x7c: {  	[tilespmem:s18], [sflag:$0x2] =	stream.indirect_vreg.gather [hbm4b:s6+s3], $0x80, v3, vm0, $0xb8;
	[tilespmem:$0x10400] =	vst v63  }
0x7d: {  	_ = 	snop  }
0x7e: {  	[tilespmem:s19], [sflag:$0x2] =	stream.indirect_vreg.gather [hbm4b:s7+s3], $0x80, v3, vm0, $0xb8;
	[tilespmem:$0x10400] =	vst v63  }
0x7f: {  	_ =	swait.ge [sflag:s20], $0x8000  }
0x80: {  	p0 =	seq.s32 s23, $0x1E000;
	[sflag:s20] =	ssyncset.done $0x0  }
.Ltmp2:
0x81: {  	s24 =	sadd.s32 $0x1000, s24;
	[sflag:s20] =	ssyncadd.s32 $0xFFFF8000;
	(pc) =	sbr.rel @p0 .LBB2_4-.Ltmp2, $4  }
0x82: {  	[hbm4b:s24+s3] =	stream.linear.scatter [tilespmem:s29], [sflag:$0x4], $0x8000, $0x38;
	[tilespmem:$0x10400] =	vst v63  }
0x83: {  	_ =	swait.ge [sflag:s21], $0x8000  }
0x84: {  	[sflag:s21] =	ssyncset.done $0x0  }
0x85: {  	[sflag:s21] =	ssyncadd.s32 $0xFFFF8000  }
0x86: {  	v3 =	vld [tilespmem:s22+$0x10];
	_ =	sdelay $0x4  }
0x87: {  	v4 =	vshll.u32 v3, $0x3  }
0x88: {  	v3 =	vand.u32 $0x7, v3;
	v4 =	vand.u32 $0xFFFFFFC0, v4  }
0x89: {  	v3 =	vor.u32 v3, v4  }
0x8a: {  	v4 =	vperm.xlane v3, v0;
	_ =	sdelay $0x1  }
0x8b: {  	v4 =	vadd.s32 v1, v4;
	_ =	sdelay $0x4  }
0x8c: {  	[tilespmem:s11], [sflag:$0x1] =	stream.indirect_vreg.gather [hbm4b:s1+s3], $0x80, v4, vm0, $0xb8;
	[tilespmem:$0x10400] =	vst v63  }
0x8d: {  	s24 =	simm.s32 $0xC00;
	v3 =	vperm.xlane v3, v2  }
0x8e: {  	[tilespmem:s24], [sflag:$0x1] =	stream.indirect_vreg.gather [hbm4b:s5+s3], $0x80, v4, vm0, $0xb8;
	[tilespmem:$0x10400] =	vst v63  }
0x8f: {  	s25 =	simm.s32 $0x1400;
	v3 =	vadd.s32 v1, v3  }
0x90: {  	[tilespmem:s25], [sflag:$0x1] =	stream.indirect_vreg.gather [hbm4b:s6+s3], $0x80, v4, vm0, $0xb8;
	[tilespmem:$0x10400] =	vst v63  }
0x91: {  	s25 =	simm.s32 $0x1C00  }
0x92: {  	[tilespmem:s25], [sflag:$0x1] =	stream.indirect_vreg.gather [hbm4b:s7+s3], $0x80, v4, vm0, $0xb8;
	[tilespmem:$0x10400] =	vst v63  }
0x93: {  	s25 =	simm.s32 $0x2400  }
0x94: {  	[tilespmem:s25], [sflag:$0x1] =	stream.indirect_vreg.gather [hbm4b:s1+s3], $0x80, v3, vm0, $0xb8;
	[tilespmem:$0x10400] =	vst v63  }
0x95: {  	s25 =	simm.s32 $0x2C00  }
0x96: {  	[tilespmem:s25], [sflag:$0x1] =	stream.indirect_vreg.gather [hbm4b:s5+s3], $0x80, v3, vm0, $0xb8;
	[tilespmem:$0x10400] =	vst v63  }
0x97: {  	s25 =	simm.s32 $0x3400  }
0x98: {  	[tilespmem:s25], [sflag:$0x1] =	stream.indirect_vreg.gather [hbm4b:s6+s3], $0x80, v3, vm0, $0xb8;
	[tilespmem:$0x10400] =	vst v63  }
0x99: {  	s25 =	simm.s32 $0x3C00  }
0x9a: {  	[tilespmem:s25], [sflag:$0x1] =	stream.indirect_vreg.gather [hbm4b:s7+s3], $0x80, v3, vm0, $0xb8;
	[tilespmem:$0x10400] =	vst v63  }
0x9b: {  	v3 =	vld [tilespmem:s22+$0x20];
	_ =	sdelay $0x4  }
0x9c: {  	v63 =	vshll.u32 v3, $0x3  }
0x9d: {  	v3 =	vand.u32 $0x7, v3;
	v4 =	vand.u32 $0xFFFFFFC0, v63  }
0x9e: {  	v3 =	vor.u32 v3, v4  }
0x9f: {  	v4 =	vperm.xlane v3, v0;
	_ =	sdelay $0x1  }
0xa0: {  	v4 =	vadd.s32 v1, v4;
	_ =	sdelay $0x3  }
0xa1: {  	s25 =	simm.s32 $0x4400  }
0xa2: {  	[tilespmem:s25], [sflag:$0x1] =	stream.indirect_vreg.gather [hbm4b:s1+s3], $0x80, v4, vm0, $0xb8;
	[tilespmem:$0x10400] =	vst v63  }
0xa3: {  	v3 =	vperm.xlane v3, v2;
	s25 =	simm.s32 $0x4C00  }
0xa4: {  	[tilespmem:s25], [sflag:$0x1] =	stream.indirect_vreg.gather [hbm4b:s5+s3], $0x80, v4, vm0, $0xb8;
	[tilespmem:$0x10400] =	vst v63  }
0xa5: {  	v3 =	vadd.s32 v1, v3;
	s25 =	simm.s32 $0x5400  }
0xa6: {  	[tilespmem:s25], [sflag:$0x1] =	stream.indirect_vreg.gather [hbm4b:s6+s3], $0x80, v4, vm0, $0xb8;
	[tilespmem:$0x10400] =	vst v63  }
0xa7: {  	s25 =	simm.s32 $0x5C00  }
0xa8: {  	[tilespmem:s25], [sflag:$0x1] =	stream.indirect_vreg.gather [hbm4b:s7+s3], $0x80, v4, vm0, $0xb8;
	[tilespmem:$0x10400] =	vst v63  }
0xa9: {  	s25 =	simm.s32 $0x6400  }
0xaa: {  	[tilespmem:s25], [sflag:$0x1] =	stream.indirect_vreg.gather [hbm4b:s1+s3], $0x80, v3, vm0, $0xb8;
	[tilespmem:$0x10400] =	vst v63  }
0xab: {  	s25 =	simm.s32 $0x6C00  }
0xac: {  	[tilespmem:s25], [sflag:$0x1] =	stream.indirect_vreg.gather [hbm4b:s5+s3], $0x80, v3, vm0, $0xb8;
	[tilespmem:$0x10400] =	vst v63  }
.Ltmp3:
0xad: {  	_ = 	snop;
	(pc) =	sbr.rel .LBB2_2-.Ltmp3, $4  }
0xae: {  	s25 =	simm.s32 $0x7400  }
0xaf: {  	[tilespmem:s25], [sflag:$0x1] =	stream.indirect_vreg.gather [hbm4b:s6+s3], $0x80, v3, vm0, $0xb8;
	[tilespmem:$0x10400] =	vst v63  }
0xb0: {  	s23 =	sadd.s32 $0x2000, s23;
	s22 =	sadd.s32 $0x40, s22  }
0xb1: {  	[tilespmem:s26], [sflag:$0x1] =	stream.indirect_vreg.gather [hbm4b:s7+s3], $0x80, v3, vm0, $0xb8;
	[tilespmem:$0x10400] =	vst v63  }
.LBB2_5:
0xb2: {  	_ =	sfence.sel $0x180000  }
0xb3: {  	[bflag:$0x0] =	sbarrier.arrive $0xFFFF  }
0xb4: {  	_ =	strace $0x90000047  }
0xb5: {  	s0 =	stileid.u32;
	[bflag:$0x2] =	sbarrier.arrive $0xFFFF  }
0xb6: {  	p0 =	sne.s32 s0, $0x0;
	s0 =	rddreg [dreg:$0x3]  }
0xb7: {  	s0 =	sadd.s32 @!p0 $0x100000, s0  }
0xb8: {  	[sflag:s0] =	ssyncadd.tile.s32 @!p0 $0x1;
	_ =	shalt  }
.Lfunc_end2:
_tile_overlayer_lowered:
.L_overlay_start_2:
0xb9: {  	(tag) =	ssettag $0x2  }
0xba: {  	s0 =	rddreg [dreg:$0x0];
	s2 =	stileid.u32  }
0xbb: {  	s1 =	rddreg [dreg:$0x1];
	p0 =	sne.s32 s2, $0x0  }
0xbc: {  	s3 =	rddreg [dreg:$0x2];
	[bflag:$0x3] =	sbarrier.arrive $0xFFFF;
	s2 =	simm.s32 @!p0 $0x1C05  }
0xbd: {  	[timem:s3], [sflag:s2] =	dma.local @!p0 [hbm:s0], s1  }
0xbe: {  	s0 =	simm.s32 @!p0 $0x5  }
0xbf: {  	_ =	swait.ge @!p0 [sflag:s0], s1  }
0xc0: {  	s1 =	ssub.s32 @!p0 $0x0, s1;
	[sflag:s0] =	ssyncset.done @!p0 $0x0  }
0xc1: {  	[sflag:s0] =	ssyncadd.s32 @!p0 s1  }
0xc2: {  	[bflag:$0x3] =	sbarrier.arrive $0xFFFF  }
0xc3: {  	_ =	shalt  }

</sc_bundles>
